<compile_context>
chip_gen: v7x
topology: tpu7x:2x2x1
jax: 0.10.2.dev20260603
libtpu: 0.0.44.dev20260713+nightly
codegen_flags: <defaults>
</compile_context>

<pallas_src>
import dataclasses
import functools

import jax
import jax.numpy as jnp
from jax import lax
from jax.experimental import pallas as pl
from jax.experimental.pallas import tpu as pltpu
from jax.experimental.pallas import tpu_sc as plsc

MARGIN = 1.1
WEIGHT = 1.0
EPS = 1e-6
LOWE_RATIO_TH = 0.9

N = 2048
D = 512
BN = 256
NBLK = N // BN

NW = 16
EPW = N // NW
VEC = 16


def _row_sums(x2d):
    return jnp.sum(x2d, axis=-1, keepdims=True)


def _norm_rows(x2d):
    n = jnp.sqrt(_row_sums(x2d * x2d))
    return x2d * (1.0 / jnp.maximum(n, 1e-12))


def _tc_kernel(nimg, q_ref, sf_ref, coli1_out, rowi_out, w_out,
               qn_s, qm2_s, a2_s, a2t_s, rowv_s, rowi_s):
    j = pl.program_id(0)

    @pl.when(j == 0)
    def _init():
        qn = _norm_rows(q_ref[0])
        qn_s[...] = qn
        qm2_s[...] = -2.0 * qn
        a2 = _row_sums(qn * qn)
        a2_s[...] = a2
        a2t_s[...] = a2.reshape(1, N)
        rowv_s[...] = jnp.full((1, N), jnp.inf, jnp.float32)
        rowi_s[...] = jnp.zeros((1, N), jnp.int32)

    nneg = nimg - 2
    sfb = sf_ref[...]
    others = sfb[1:].reshape((nimg - 1) * BN, D)
    othersn = _norm_rows(others).reshape(nimg - 1, BN, D)
    pn = othersn[0]
    b2 = _row_sums(pn * pn)

    qm2 = qm2_s[...]
    gm2 = lax.dot_general(qm2, pn, (((1,), (1,)), ((), ())),
                          preferred_element_type=jnp.float32)
    d2 = jnp.maximum(a2_s[...] + b2.reshape(1, BN) + gm2, 0.0)

    v1 = jnp.min(d2, axis=0)
    i1 = jnp.argmin(d2, axis=0).astype(jnp.int32)
    riota = lax.broadcasted_iota(jnp.int32, d2.shape, 0)
    masked = jnp.where(riota == i1[None, :], jnp.inf, d2)
    i2 = jnp.argmin(masked, axis=0).astype(jnp.int32)

    gtm2 = lax.dot_general(pn, qm2, (((1,), (1,)), ((), ())),
                           preferred_element_type=jnp.float32)
    d2t = jnp.maximum(b2 + a2t_s[...] + gtm2, 0.0)
    rv = jnp.min(d2t, axis=0, keepdims=True)
    ri = (jnp.argmin(d2t, axis=0).astype(jnp.int32)
          .reshape(1, N) + j * BN)
    take = rv < rowv_s[...]
    rowv_s[...] = jnp.where(take, rv, rowv_s[...])
    rowi_s[...] = jnp.where(take, ri, rowi_s[...])

    qbe = qn_s[pl.ds(j * BN, BN), :] + EPS
    dif = qbe - pn
    dm = jnp.sqrt(_row_sums(dif * dif))
    y = dm * dm
    for k in range(1, nneg + 1):
        dif = qbe - othersn[k]
        dm = jnp.sqrt(_row_sums(dif * dif))
        h = jnp.maximum(MARGIN - dm, 0.0)
        y = y + h * h
    y = y.reshape(BN)

    gidx = lax.iota(jnp.int32, BN) + j * BN
    ratio = jnp.sqrt(v1) / i2.astype(jnp.float32)
    colok = jnp.logical_and(i1 == gidx, ratio <= LOWE_RATIO_TH)

    coli1_out[j, :] = i1
    w_out[j, :] = jnp.where(colok, y, 0.0)

    @pl.when(j == NBLK - 1)
    def _final():
        rowi_out[...] = rowi_s[...]


def _sc_finalize_body(coli1_hbm, rowi_hbm, w_hbm, out_hbm,
                      rowi_v, coli1_v, w_v, acc_v):
    wid = lax.axis_index("s")
    r = wid // (BN // EPW)
    c0 = (wid % (BN // EPW)) * EPW
    base = r * BN + c0
    pltpu.sync_copy(rowi_hbm, rowi_v)
    pltpu.sync_copy(coli1_hbm.at[r, pl.ds(c0, EPW)], coli1_v)
    pltpu.sync_copy(w_hbm.at[r, pl.ds(c0, EPW)], w_v)
    acc_v[...] = jnp.zeros((VEC,), jnp.float32)
    zero = jnp.zeros((VEC,), jnp.int32)

    @pl.loop(0, EPW, step=VEC)
    def _(v):
        idx = coli1_v[pl.ds(v, VEC)]
        rg = plsc.load_gather(rowi_v, [zero, idx])
        jvec = lax.iota(jnp.int32, VEC) + (base + v)
        wv = w_v[pl.ds(v, VEC)]
        acc_v[...] = acc_v[...] + jnp.where(rg == jvec, wv, jnp.float32(0.0))

    pltpu.sync_copy(acc_v, out_hbm.at[wid])


@functools.cache
def _sc_finalize():
    mesh = plsc.VectorSubcoreMesh(
        core_axis_name="c", subcore_axis_name="s", num_cores=1)
    cp = pltpu.CompilerParams()
    if "needs_layout_passes" in pltpu.CompilerParams.__dataclass_fields__:
        cp = dataclasses.replace(cp, needs_layout_passes=False)
    return pl.kernel(
        _sc_finalize_body,
        out_type=jax.ShapeDtypeStruct((NW, VEC), jnp.float32),
        mesh=mesh,
        compiler_params=cp,
        scratch_types=[
            pltpu.VMEM((1, N), jnp.int32),
            pltpu.VMEM((EPW,), jnp.int32),
            pltpu.VMEM((EPW,), jnp.float32),
            pltpu.VMEM((VEC,), jnp.float32),
        ],
    )


@jax.jit
def kernel(superfeatures, target):
    del target
    nimg = superfeatures.shape[0]
    coli1, rowi, w = pl.pallas_call(
        functools.partial(_tc_kernel, nimg),
        grid=(NBLK,),
        in_specs=[
            pl.BlockSpec((1, N, D), lambda j: (0, 0, 0)),
            pl.BlockSpec((nimg, BN, D), lambda j: (0, j, 0)),
        ],
        out_specs=[
            pl.BlockSpec((NBLK, BN), lambda j: (0, 0)),
            pl.BlockSpec((1, N), lambda j: (0, 0)),
            pl.BlockSpec((NBLK, BN), lambda j: (0, 0)),
        ],
        out_shape=[
            jax.ShapeDtypeStruct((NBLK, BN), jnp.int32),
            jax.ShapeDtypeStruct((1, N), jnp.int32),
            jax.ShapeDtypeStruct((NBLK, BN), jnp.float32),
        ],
        scratch_shapes=[
            pltpu.VMEM((N, D), jnp.float32),
            pltpu.VMEM((N, D), jnp.float32),
            pltpu.VMEM((N, 1), jnp.float32),
            pltpu.VMEM((1, N), jnp.float32),
            pltpu.VMEM((1, N), jnp.float32),
            pltpu.VMEM((1, N), jnp.int32),
        ],
    )(superfeatures, superfeatures)
    partials = _sc_finalize()(coli1, rowi, w)
    return 0.5 * WEIGHT * jnp.sum(partials)

# --- scband reference (transcript-rebuilt; emitter-appended) ---
"""Pipeline reference for scband-superfeature-loss-7696581394670 (READ-ONLY COPY).

The authoritative reference and input builder live on the scoring server;
editing this copy changes nothing except your own understanding.
"""

import jax, jax.numpy as jnp
import numpy as np

MARGIN = 1.1
WEIGHT = 1.0
EPS = 1e-6
LOWE_RATIO_TH = 0.9


def _normalize(x):
    n = jnp.sqrt(jnp.sum(x * x, axis=1, keepdims=True))
    return x / jnp.maximum(n, 1e-12)


def _cdist(a, b):
    a2 = jnp.sum(a * a, axis=1)[:, None]
    b2 = jnp.sum(b * b, axis=1)[None, :]
    d2 = jnp.maximum(a2 + b2 - 2.0 * (a @ b.T), 0.0)
    return jnp.sqrt(d2)


def _match(query_feat, pos_feat):
    dist = _cdist(query_feat, pos_feat)
    best1 = jnp.argmin(dist, axis=1)
    best2 = jnp.argmin(dist, axis=0)
    ar = jnp.arange(best2.shape[0])
    reciprocal = best1[best2] == ar
    dist2 = dist.at[best2, ar].set(jnp.inf)
    dist2_second2 = jnp.argmin(dist2, axis=0)
    # NOTE: faithful to the original torch code, which divides a distance by an
    # integer argmin index (apparent upstream bug, reproduced deliberately).
    ratio1to2 = dist[best2, ar] / dist2_second2
    valid = jnp.logical_and(reciprocal, ratio1to2 <= LOWE_RATIO_TH)
    return jnp.logical_and(valid, best2 == ar)


def _contrastive(x, label, valid):
    # cirtorch-style contrastive loss; x is D x (S*nq), label in {-1,1,0}
    label = np.asarray(label)
    nq = int(np.sum(label == -1))
    S = x.shape[1] // nq
    x1 = jnp.repeat(x[:, ::S], S - 1, axis=1)
    mask = label != -1
    x2 = x[:, mask]
    lbl = label[mask].astype(np.float32)
    dif = x1 - x2
    Dm = jnp.sqrt(jnp.sum((dif + EPS) ** 2, axis=0))
    y = lbl * (Dm ** 2) + (1.0 - lbl) * (jnp.maximum(MARGIN - Dm, 0.0) ** 2)
    w = jnp.repeat(valid.astype(Dm.dtype), S - 1)
    return 0.5 * jnp.sum(y * w)


def setup_inputs(seed: int = 0):
    key = jax.random.key(seed)
    num_images, N, D = 7, 2048, 512
    k1, k2 = jax.random.split(key)
    sf = jax.random.normal(k1, (num_images, N, D), dtype=jnp.float32)
    # positive = query + small noise so reciprocal NN matches exist,
    # mimicking a real retrieval tuple where query/positive share regions
    sf = sf.at[1].set(sf[0] + 0.1 * jax.random.normal(k2, (N, D), dtype=jnp.float32))
    target = jnp.array([-1, 1] + [0] * (num_images - 2), dtype=jnp.int64)
    return {"superfeatures": sf, "target": target}


def reference(superfeatures, target):
    # target must be [-1, 1, 0, 0, ...] (query, positive, negatives)
    query_feat = _normalize(superfeatures[0])
    pos_feat = _normalize(superfeatures[1])
    neg_feats = [_normalize(superfeatures[i]) for i in range(2, superfeatures.shape[0])]
    match_mask = _match(query_feat, pos_feat)
    nneg = len(neg_feats)
    n = query_feat.shape[0]
    label = np.array(([-1, 1] + [0] * nneg) * n, dtype=np.int64)
    feats = [query_feat[:, None, :], pos_feat[:, None, :]] + [nf[:, None, :] for nf in neg_feats]
    catfeats = jnp.concatenate(feats, axis=1).reshape(-1, query_feat.shape[1])
    loss = _contrastive(catfeats.T, label, match_mask)
    empty = jnp.sum(query_feat[:1, :1]) * 0.0
    return jnp.where(jnp.any(match_mask), loss * WEIGHT, empty)

if __name__ == "__main__":
    import jax
    _d = setup_inputs()
    print(jax.jit(kernel)(*tuple(_d.values())))

</pallas_src>

<mosaic_0001>
#map = affine_map<(d0, d1) -> (0, 0)>
module attributes {stable_mosaic.version = 14 : i64} {
  func.func @_sc_finalize_body(%arg0: i32, %arg1: i32, %arg2: memref<8x256xi32, #tpu.memory_space<hbm>>, %arg3: memref<1x2048xi32, #tpu.memory_space<hbm>>, %arg4: memref<8x256xf32, #tpu.memory_space<hbm>>, %arg5: memref<16x16xf32, #tpu.memory_space<hbm>>, %arg6: memref<1x2048xi32, #tpu.memory_space<vmem>>, %arg7: memref<128xi32, #tpu.memory_space<vmem>>, %arg8: memref<128xf32, #tpu.memory_space<vmem>>, %arg9: memref<16xf32, #tpu.memory_space<vmem>>) attributes {dimension_semantics = [#tpu.dimension_semantics<core_parallel>, #tpu.dimension_semantics<subcore_parallel>], iteration_bounds = array<i64: 1, 16>, scalar_prefetch = 0 : i64, scratch_operands = 4 : i64, tpu.core_type = #tpu.core_type<sc_vector_subcore>, window_params = [{transform_indices = #map}, {transform_indices = #map}, {transform_indices = #map}, {transform_indices = #map}]} {
    %jit3A = arith.constant 2 : i32
    %div3A = arith.divsi %arg1, %jit3A : i32
    %sign3A = arith.constant 0 : i32
    %sign3A_0 = arith.cmpi sgt, %arg1, %sign3A : i32
    %sign3A_1 = arith.extui %sign3A_0 : i1 to i32
    %sign3A_2 = arith.constant 0 : i32
    %sign3A_3 = arith.cmpi slt, %arg1, %sign3A_2 : i32
    %sign3A_4 = arith.extui %sign3A_3 : i1 to i32
    %sign3A_5 = arith.subi %sign3A_1, %sign3A_4 : i32
    %sign3A_6 = arith.constant 0 : i32
    %sign3A_7 = arith.cmpi sgt, %jit3A, %sign3A_6 : i32
    %sign3A_8 = arith.extui %sign3A_7 : i1 to i32
    %sign3A_9 = arith.constant 0 : i32
    %sign3A_10 = arith.cmpi slt, %jit3A, %sign3A_9 : i32
    %sign3A_11 = arith.extui %sign3A_10 : i1 to i32
    %sign3A_12 = arith.subi %sign3A_8, %sign3A_11 : i32
    %ne3A = arith.cmpi ne, %sign3A_5, %sign3A_12 : i32
    %rem3A = arith.remsi %arg1, %jit3A : i32
    %ne3A_13 = arith.constant 0 : i32
    %ne3A_14 = arith.cmpi ne, %rem3A, %ne3A_13 : i32
    %and3A = arith.andi %ne3A, %ne3A_14 : i1
    %sub3A = arith.constant 1 : i32
    %sub3A_15 = arith.subi %div3A, %sub3A : i32
    %select_n3A = arith.select %and3A, %sub3A_15, %div3A : i32
    %jit3A_16 = arith.constant 2 : i32
    %eq3A = arith.constant 0 : i32
    %eq3A_17 = arith.cmpi eq, %jit3A_16, %eq3A : i32
    %jit3A_18 = arith.constant 1 : i32
    %select_n3A_19 = arith.select %eq3A_17, %jit3A_18, %jit3A_16 : i32
    %rem3A_20 = arith.remsi %arg1, %select_n3A_19 : i32
    %ne3A_21 = arith.constant 0 : i32
    %ne3A_22 = arith.cmpi ne, %rem3A_20, %ne3A_21 : i32
    %lt3A = arith.constant 0 : i32
    %lt3A_23 = arith.cmpi slt, %rem3A_20, %lt3A : i32
    %lt3A_24 = arith.constant 0 : i32
    %lt3A_25 = arith.cmpi slt, %select_n3A_19, %lt3A_24 : i32
    %ne3A_26 = arith.xori %lt3A_23, %lt3A_25 : i1
    %and3A_27 = arith.andi %ne3A_26, %ne3A_22 : i1
    %add3A = arith.addi %rem3A_20, %select_n3A_19 : i32
    %select_n3A_28 = arith.select %and3A_27, %add3A, %rem3A_20 : i32
    %mul3A = arith.constant 128 : i32
    %mul3A_29 = arith.muli %select_n3A_28, %mul3A : i32
    %mul3A_30 = arith.constant 256 : i32
    %mul3A_31 = arith.muli %select_n3A, %mul3A_30 : i32
    %add3A_32 = arith.addi %mul3A_31, %mul3A_29 : i32
    "tpu.region"() ({
      %run_scoped3A = tpu.sem_alloc : memref<!tpu.dma_semaphore, #tpu.memory_space<semaphore_mem>>
      tpu.enqueue_dma source(%arg3 : memref<1x2048xi32, #tpu.memory_space<hbm>>) target(%arg6 : memref<1x2048xi32, #tpu.memory_space<vmem>>) target_semaphore(%run_scoped3A : memref<!tpu.dma_semaphore, #tpu.memory_space<semaphore_mem>>)
      tpu.wait_dma2 semaphore(%run_scoped3A : memref<!tpu.dma_semaphore, #tpu.memory_space<semaphore_mem>>) src(%arg3 : memref<1x2048xi32, #tpu.memory_space<hbm>>) dst(%arg6 : memref<1x2048xi32, #tpu.memory_space<vmem>>)
      tpu.yield
    }) : () -> ()
    "tpu.region"() ({
      %run_scoped3A = tpu.sem_alloc : memref<!tpu.dma_semaphore, #tpu.memory_space<semaphore_mem>>
      %dma_start3A = tpu.memref_slice %arg2[%select_n3A, %mul3A_29] : memref<8x256xi32, #tpu.memory_space<hbm>> -> memref<1x128xi32, #tpu.memory_space<hbm>>
      %dma_start3A_41 = tpu.memref_squeeze %dma_start3A : memref<1x128xi32, #tpu.memory_space<hbm>> -> memref<128xi32, #tpu.memory_space<hbm>>
      %dma_start3A_42 = tpu.memref_slice %arg2[%select_n3A, %mul3A_29] : memref<8x256xi32, #tpu.memory_space<hbm>> -> memref<1x128xi32, #tpu.memory_space<hbm>>
      %dma_start3A_43 = tpu.memref_squeeze %dma_start3A_42 : memref<1x128xi32, #tpu.memory_space<hbm>> -> memref<128xi32, #tpu.memory_space<hbm>>
      tpu.enqueue_dma source(%dma_start3A_43 : memref<128xi32, #tpu.memory_space<hbm>>) target(%arg7 : memref<128xi32, #tpu.memory_space<vmem>>) target_semaphore(%run_scoped3A : memref<!tpu.dma_semaphore, #tpu.memory_space<semaphore_mem>>)
      %dma_wait3A = tpu.memref_slice %arg2[%select_n3A, %mul3A_29] : memref<8x256xi32, #tpu.memory_space<hbm>> -> memref<1x128xi32, #tpu.memory_space<hbm>>
      %dma_wait3A_44 = tpu.memref_squeeze %dma_wait3A : memref<1x128xi32, #tpu.memory_space<hbm>> -> memref<128xi32, #tpu.memory_space<hbm>>
      %dma_wait3A_45 = tpu.memref_slice %arg2[%select_n3A, %mul3A_29] : memref<8x256xi32, #tpu.memory_space<hbm>> -> memref<1x128xi32, #tpu.memory_space<hbm>>
      %dma_wait3A_46 = tpu.memref_squeeze %dma_wait3A_45 : memref<1x128xi32, #tpu.memory_space<hbm>> -> memref<128xi32, #tpu.memory_space<hbm>>
      tpu.wait_dma2 semaphore(%run_scoped3A : memref<!tpu.dma_semaphore, #tpu.memory_space<semaphore_mem>>) src(%dma_wait3A_46 : memref<128xi32, #tpu.memory_space<hbm>>) dst(%arg7 : memref<128xi32, #tpu.memory_space<vmem>>)
      tpu.yield
    }) : () -> ()
    "tpu.region"() ({
      %run_scoped3A = tpu.sem_alloc : memref<!tpu.dma_semaphore, #tpu.memory_space<semaphore_mem>>
      %dma_start3A = tpu.memref_slice %arg4[%select_n3A, %mul3A_29] : memref<8x256xf32, #tpu.memory_space<hbm>> -> memref<1x128xf32, #tpu.memory_space<hbm>>
      %dma_start3A_41 = tpu.memref_squeeze %dma_start3A : memref<1x128xf32, #tpu.memory_space<hbm>> -> memref<128xf32, #tpu.memory_space<hbm>>
      %dma_start3A_42 = tpu.memref_slice %arg4[%select_n3A, %mul3A_29] : memref<8x256xf32, #tpu.memory_space<hbm>> -> memref<1x128xf32, #tpu.memory_space<hbm>>
      %dma_start3A_43 = tpu.memref_squeeze %dma_start3A_42 : memref<1x128xf32, #tpu.memory_space<hbm>> -> memref<128xf32, #tpu.memory_space<hbm>>
      tpu.enqueue_dma source(%dma_start3A_43 : memref<128xf32, #tpu.memory_space<hbm>>) target(%arg8 : memref<128xf32, #tpu.memory_space<vmem>>) target_semaphore(%run_scoped3A : memref<!tpu.dma_semaphore, #tpu.memory_space<semaphore_mem>>)
      %dma_wait3A = tpu.memref_slice %arg4[%select_n3A, %mul3A_29] : memref<8x256xf32, #tpu.memory_space<hbm>> -> memref<1x128xf32, #tpu.memory_space<hbm>>
      %dma_wait3A_44 = tpu.memref_squeeze %dma_wait3A : memref<1x128xf32, #tpu.memory_space<hbm>> -> memref<128xf32, #tpu.memory_space<hbm>>
      %dma_wait3A_45 = tpu.memref_slice %arg4[%select_n3A, %mul3A_29] : memref<8x256xf32, #tpu.memory_space<hbm>> -> memref<1x128xf32, #tpu.memory_space<hbm>>
      %dma_wait3A_46 = tpu.memref_squeeze %dma_wait3A_45 : memref<1x128xf32, #tpu.memory_space<hbm>> -> memref<128xf32, #tpu.memory_space<hbm>>
      tpu.wait_dma2 semaphore(%run_scoped3A : memref<!tpu.dma_semaphore, #tpu.memory_space<semaphore_mem>>) src(%dma_wait3A_46 : memref<128xf32, #tpu.memory_space<hbm>>) dst(%arg8 : memref<128xf32, #tpu.memory_space<vmem>>)
      tpu.yield
    }) : () -> ()
    %broadcast_in_dim3A = arith.constant 0.000000e+00 : f32
    %broadcast_in_dim3A_33 = vector.broadcast %broadcast_in_dim3A : f32 to vector<16xf32>
    %swap3A = arith.constant 0 : index
    %swap3A_34 = tpu.vector_load %arg9[%swap3A] {strides = array<i32>} : memref<16xf32, #tpu.memory_space<vmem>>, vector<16xf32>,
    tpu.vector_store %arg9[%swap3A], %broadcast_in_dim3A_33 {strides = array<i32>} : memref<16xf32, #tpu.memory_space<vmem>>, vector<16xf32>,
    %broadcast_in_dim3A_35 = arith.constant 0 : i32
    %broadcast_in_dim3A_36 = vector.broadcast %broadcast_in_dim3A_35 : i32 to vector<16xi32>
    %scan3A = arith.constant 0 : i32
    %scan3A_37 = arith.constant 8 : i32
    %scan3A_38 = arith.addi %scan3A, %scan3A_37 : i32
    %scan3A_39 = arith.constant 1 : i32
    scf.for %scan3A_41 = %scan3A to %scan3A_38 step %scan3A_39  : i32 {
      %mul3A_42 = arith.constant 16 : i32
      %mul3A_43 = arith.muli %scan3A_41, %mul3A_42 : i32
      %add3A_44 = arith.constant 0 : i32
      %add3A_45 = arith.addi %add3A_44, %mul3A_43 : i32
      %get3A = arith.index_cast %add3A_45 : i32 to index
      %get3A_46 = tpu.vector_load %arg7[%get3A] {strides = array<i32>} : memref<128xi32, #tpu.memory_space<vmem>>, vector<16xi32>,
      %gather3A = tpu.vector_load_idx %arg6[%broadcast_in_dim3A_36, %get3A_46] : memref<1x2048xi32, #tpu.memory_space<vmem>>[vector<16xi32>, vector<16xi32>], vector<16xi32>,
      %iota3A = tpu.iota {dimensions = array<i32: 0>} : vector<16xi32>
      %add3A_47 = arith.addi %add3A_32, %add3A_45 : i32
      %add3A_48 = vector.broadcast %add3A_47 : i32 to vector<16xi32>
      %add3A_49 = arith.addi %iota3A, %add3A_48 : vector<16xi32>
      %get3A_50 = arith.index_cast %add3A_45 : i32 to index
      %get3A_51 = tpu.vector_load %arg8[%get3A_50] {strides = array<i32>} : memref<128xf32, #tpu.memory_space<vmem>>, vector<16xf32>,
      %get3A_52 = arith.constant 0 : index
      %get3A_53 = tpu.vector_load %arg9[%get3A_52] {strides = array<i32>} : memref<16xf32, #tpu.memory_space<vmem>>, vector<16xf32>,
      %eq3A_54 = arith.cmpi eq, %gather3A, %add3A_49 : vector<16xi32>
      %jit3A_55 = arith.constant 0.000000e+00 : f32
      %broadcast_in_dim3A_56 = vector.broadcast %jit3A_55 : f32 to vector<16xf32>
      %select_n3A_57 = arith.select %eq3A_54, %get3A_51, %broadcast_in_dim3A_56 : vector<16xi1>, vector<16xf32>
      %add3A_58 = arith.addf %get3A_53, %select_n3A_57 : vector<16xf32>
      %swap3A_59 = arith.constant 0 : index
      %swap3A_60 = tpu.vector_load %arg9[%swap3A_59] {strides = array<i32>} : memref<16xf32, #tpu.memory_space<vmem>>, vector<16xf32>,
      tpu.vector_store %arg9[%swap3A_59], %add3A_58 {strides = array<i32>} : memref<16xf32, #tpu.memory_space<vmem>>, vector<16xf32>,
    }
    %scan3A_40 = arith.constant 8 : i32
    "tpu.region"() ({
      %run_scoped3A = tpu.sem_alloc : memref<!tpu.dma_semaphore, #tpu.memory_space<semaphore_mem>>
      %dma_start3A = arith.constant 0 : i32
      %dma_start3A_41 = tpu.memref_slice %arg5[%arg1, %dma_start3A] : memref<16x16xf32, #tpu.memory_space<hbm>> -> memref<1x16xf32, #tpu.memory_space<hbm>>
      %dma_start3A_42 = tpu.memref_squeeze %dma_start3A_41 : memref<1x16xf32, #tpu.memory_space<hbm>> -> memref<16xf32, #tpu.memory_space<hbm>>
      %dma_start3A_43 = arith.constant 0 : i32
      %dma_start3A_44 = tpu.memref_slice %arg5[%arg1, %dma_start3A_43] : memref<16x16xf32, #tpu.memory_space<hbm>> -> memref<1x16xf32, #tpu.memory_space<hbm>>
      %dma_start3A_45 = tpu.memref_squeeze %dma_start3A_44 : memref<1x16xf32, #tpu.memory_space<hbm>> -> memref<16xf32, #tpu.memory_space<hbm>>
      tpu.enqueue_dma source(%arg9 : memref<16xf32, #tpu.memory_space<vmem>>) target(%dma_start3A_45 : memref<16xf32, #tpu.memory_space<hbm>>) target_semaphore(%run_scoped3A : memref<!tpu.dma_semaphore, #tpu.memory_space<semaphore_mem>>)
      %dma_wait3A = arith.constant 0 : i32
      %dma_wait3A_46 = tpu.memref_slice %arg5[%arg1, %dma_wait3A] : memref<16x16xf32, #tpu.memory_space<hbm>> -> memref<1x16xf32, #tpu.memory_space<hbm>>
      %dma_wait3A_47 = tpu.memref_squeeze %dma_wait3A_46 : memref<1x16xf32, #tpu.memory_space<hbm>> -> memref<16xf32, #tpu.memory_space<hbm>>
      %dma_wait3A_48 = arith.constant 0 : i32
      %dma_wait3A_49 = tpu.memref_slice %arg5[%arg1, %dma_wait3A_48] : memref<16x16xf32, #tpu.memory_space<hbm>> -> memref<1x16xf32, #tpu.memory_space<hbm>>
      %dma_wait3A_50 = tpu.memref_squeeze %dma_wait3A_49 : memref<1x16xf32, #tpu.memory_space<hbm>> -> memref<16xf32, #tpu.memory_space<hbm>>
      tpu.wait_dma2 semaphore(%run_scoped3A : memref<!tpu.dma_semaphore, #tpu.memory_space<semaphore_mem>>) src(%arg9 : memref<16xf32, #tpu.memory_space<vmem>>) dst(%dma_wait3A_50 : memref<16xf32, #tpu.memory_space<hbm>>)
      tpu.yield
    }) : () -> ()
    return
  }
}

module attributes {stable_mosaic.version = 14 : i64} {
  func.func @_tc_kernel(%arg0: i32, %arg1: memref<1x2048x512xf32, #tpu.memory_space<vmem>>, %arg2: memref<7x256x512xf32, #tpu.memory_space<vmem>>, %arg3: memref<8x256xi32, #tpu.memory_space<vmem>>, %arg4: memref<1x2048xi32, #tpu.memory_space<vmem>>, %arg5: memref<8x256xf32, #tpu.memory_space<vmem>>, %arg6: memref<2048x512xf32, #tpu.memory_space<vmem>>, %arg7: memref<2048x512xf32, #tpu.memory_space<vmem>>, %arg8: memref<2048x1xf32, #tpu.memory_space<vmem>>, %arg9: memref<1x2048xf32, #tpu.memory_space<vmem>>, %arg10: memref<1x2048xf32, #tpu.memory_space<vmem>>, %arg11: memref<1x2048xi32, #tpu.memory_space<vmem>>) attributes {dimension_semantics = [#tpu.dimension_semantics<arbitrary>], iteration_bounds = array<i64: 8>, scalar_prefetch = 0 : i64, scratch_operands = 6 : i64, tpu.core_type = #tpu.core_type<tc>, window_params = [{transform_indices = @transform_0, window_bounds = array<i64: 1, 2048, 512>}, {transform_indices = @transform_1, window_bounds = array<i64: 7, 256, 512>}, {pipeline_mode = #tpu.pipeline_mode<synchronous>, transform_indices = @transform_2, window_bounds = array<i64: 8, 256>}, {pipeline_mode = #tpu.pipeline_mode<synchronous>, transform_indices = @transform_3, window_bounds = array<i64: 1, 2048>}, {pipeline_mode = #tpu.pipeline_mode<synchronous>, transform_indices = @transform_4, window_bounds = array<i64: 8, 256>}]} {
    %eq3A = arith.constant 0 : i32
    %eq3A_0 = arith.cmpi eq, %arg0, %eq3A : i32
    %convert_element_type3A = arith.extui %eq3A_0 : i1 to i32
    %cond3A = arith.constant 0 : i32
    %cond3A_1 = arith.cmpi ne, %convert_element_type3A, %cond3A : i32
    scf.if %cond3A_1 {
      %get3A_200 = arith.constant 0 : index
      %get3A_201 = arith.constant 0 : index
      %get3A_202 = arith.constant 0 : index
      %get3A_203 = vector.load %arg1[%get3A_200, %get3A_201, %get3A_202] : memref<1x2048x512xf32, #tpu.memory_space<vmem>>, vector<1x2048x512xf32>
      %get3A_204 = vector.shape_cast %get3A_203 : vector<1x2048x512xf32> to vector<2048x512xf32>
      %mul3A_205 = arith.mulf %get3A_204, %get3A_204 : vector<2048x512xf32>
      %reduce_sum3A_206 = arith.constant dense<0.000000e+00> : vector<2048xf32>
      %reduce_sum3A_207 = vector.multi_reduction <add>, %mul3A_205, %reduce_sum3A_206 [1] : vector<2048x512xf32> to vector<2048xf32>
      %broadcast_in_dim3A_208 = vector.shape_cast %reduce_sum3A_207 : vector<2048xf32> to vector<2048x1xf32>
      %sqrt3A_209 = math.sqrt %broadcast_in_dim3A_208 : vector<2048x1xf32>
      %max3A_210 = arith.constant 9.99999996E-13 : f32
      %max3A_211 = vector.broadcast %max3A_210 : f32 to vector<2048x1xf32>
      %max3A_212 = arith.maximumf %sqrt3A_209, %max3A_211 : vector<2048x1xf32>
      %div3A_213 = arith.constant 1.000000e+00 : f32
      %div3A_214 = vector.broadcast %div3A_213 : f32 to vector<2048x1xf32>
      %div3A_215 = arith.divf %div3A_214, %max3A_212 : vector<2048x1xf32>
      %mul3A_216 = vector.broadcast %div3A_215 : vector<2048x1xf32> to vector<2048x512xf32>
      %mul3A_217 = arith.mulf %get3A_204, %mul3A_216 : vector<2048x512xf32>
      %swap3A_218 = arith.constant 0 : index
      %swap3A_219 = arith.constant 0 : index
      %swap3A_220 = vector.load %arg6[%swap3A_218, %swap3A_219] : memref<2048x512xf32, #tpu.memory_space<vmem>>, vector<2048x512xf32>
      tpu.vector_store %arg6[%swap3A_218, %swap3A_219], %mul3A_217 {strides = array<i32>} : memref<2048x512xf32, #tpu.memory_space<vmem>>, vector<2048x512xf32>,
      %mul3A_221 = arith.constant -2.000000e+00 : f32
      %mul3A_222 = vector.broadcast %mul3A_221 : f32 to vector<2048x512xf32>
      %mul3A_223 = arith.mulf %mul3A_222, %mul3A_217 : vector<2048x512xf32>
      %swap3A_224 = arith.constant 0 : index
      %swap3A_225 = arith.constant 0 : index
      %swap3A_226 = vector.load %arg7[%swap3A_224, %swap3A_225] : memref<2048x512xf32, #tpu.memory_space<vmem>>, vector<2048x512xf32>
      tpu.vector_store %arg7[%swap3A_224, %swap3A_225], %mul3A_223 {strides = array<i32>} : memref<2048x512xf32, #tpu.memory_space<vmem>>, vector<2048x512xf32>,
      %mul3A_227 = arith.mulf %mul3A_217, %mul3A_217 : vector<2048x512xf32>
      %reduce_sum3A_228 = arith.constant dense<0.000000e+00> : vector<2048xf32>
      %reduce_sum3A_229 = vector.multi_reduction <add>, %mul3A_227, %reduce_sum3A_228 [1] : vector<2048x512xf32> to vector<2048xf32>
      %broadcast_in_dim3A_230 = vector.shape_cast %reduce_sum3A_229 : vector<2048xf32> to vector<2048x1xf32>
      %swap3A_231 = arith.constant 0 : index
      %swap3A_232 = arith.constant 0 : index
      %swap3A_233 = vector.load %arg8[%swap3A_231, %swap3A_232] : memref<2048x1xf32, #tpu.memory_space<vmem>>, vector<2048x1xf32>
      tpu.vector_store %arg8[%swap3A_231, %swap3A_232], %broadcast_in_dim3A_230 {strides = array<i32>} : memref<2048x1xf32, #tpu.memory_space<vmem>>, vector<2048x1xf32>,
      %reshape3A_234 = vector.shape_cast %broadcast_in_dim3A_230 : vector<2048x1xf32> to vector<1x2048xf32>
      %swap3A_235 = arith.constant 0 : index
      %swap3A_236 = arith.constant 0 : index
      %swap3A_237 = vector.load %arg9[%swap3A_235, %swap3A_236] : memref<1x2048xf32, #tpu.memory_space<vmem>>, vector<1x2048xf32>
      tpu.vector_store %arg9[%swap3A_235, %swap3A_236], %reshape3A_234 {strides = array<i32>} : memref<1x2048xf32, #tpu.memory_space<vmem>>, vector<1x2048xf32>,
      %broadcast_in_dim3A_238 = arith.constant 0x7F800000 : f32
      %broadcast_in_dim3A_239 = vector.broadcast %broadcast_in_dim3A_238 : f32 to vector<1x2048xf32>
      %swap3A_240 = arith.constant 0 : index
      %swap3A_241 = arith.constant 0 : index
      %swap3A_242 = vector.load %arg10[%swap3A_240, %swap3A_241] : memref<1x2048xf32, #tpu.memory_space<vmem>>, vector<1x2048xf32>
      tpu.vector_store %arg10[%swap3A_240, %swap3A_241], %broadcast_in_dim3A_239 {strides = array<i32>} : memref<1x2048xf32, #tpu.memory_space<vmem>>, vector<1x2048xf32>,
      %broadcast_in_dim3A_243 = arith.constant 0 : i32
      %broadcast_in_dim3A_244 = vector.broadcast %broadcast_in_dim3A_243 : i32 to vector<1x2048xi32>
      %swap3A_245 = arith.constant 0 : index
      %swap3A_246 = arith.constant 0 : index
      %swap3A_247 = vector.load %arg11[%swap3A_245, %swap3A_246] : memref<1x2048xi32, #tpu.memory_space<vmem>>, vector<1x2048xi32>
      tpu.vector_store %arg11[%swap3A_245, %swap3A_246], %broadcast_in_dim3A_244 {strides = array<i32>} : memref<1x2048xi32, #tpu.memory_space<vmem>>, vector<1x2048xi32>,
    } else {
    }
    %get3A = arith.constant 0 : index
    %get3A_2 = arith.constant 0 : index
    %get3A_3 = arith.constant 0 : index
    %get3A_4 = vector.load %arg2[%get3A, %get3A_2, %get3A_3] : memref<7x256x512xf32, #tpu.memory_space<vmem>>, vector<7x256x512xf32>
    %slice3A = vector.extract_strided_slice %get3A_4 {offsets = [1, 0, 0], sizes = [6, 256, 512], strides = [1, 1, 1]} : vector<7x256x512xf32> to vector<6x256x512xf32>
    %reshape3A = vector.shape_cast %slice3A : vector<6x256x512xf32> to vector<1536x512xf32>
    %mul3A = arith.mulf %reshape3A, %reshape3A : vector<1536x512xf32>
    %reduce_sum3A = arith.constant dense<0.000000e+00> : vector<1536xf32>
    %reduce_sum3A_5 = vector.multi_reduction <add>, %mul3A, %reduce_sum3A [1] : vector<1536x512xf32> to vector<1536xf32>
    %broadcast_in_dim3A = vector.shape_cast %reduce_sum3A_5 : vector<1536xf32> to vector<1536x1xf32>
    %sqrt3A = math.sqrt %broadcast_in_dim3A : vector<1536x1xf32>
    %max3A = arith.constant 9.99999996E-13 : f32
    %max3A_6 = vector.broadcast %max3A : f32 to vector<1536x1xf32>
    %max3A_7 = arith.maximumf %sqrt3A, %max3A_6 : vector<1536x1xf32>
    %div3A = arith.constant 1.000000e+00 : f32
    %div3A_8 = vector.broadcast %div3A : f32 to vector<1536x1xf32>
    %div3A_9 = arith.divf %div3A_8, %max3A_7 : vector<1536x1xf32>
    %mul3A_10 = vector.broadcast %div3A_9 : vector<1536x1xf32> to vector<1536x512xf32>
    %mul3A_11 = arith.mulf %reshape3A, %mul3A_10 : vector<1536x512xf32>
    %reshape3A_12 = vector.shape_cast %mul3A_11 : vector<1536x512xf32> to vector<6x256x512xf32>
    %slice3A_13 = vector.extract_strided_slice %reshape3A_12 {offsets = [0, 0, 0], sizes = [1, 256, 512], strides = [1, 1, 1]} : vector<6x256x512xf32> to vector<1x256x512xf32>
    %squeeze3A = vector.shape_cast %slice3A_13 : vector<1x256x512xf32> to vector<256x512xf32>
    %mul3A_14 = arith.mulf %squeeze3A, %squeeze3A : vector<256x512xf32>
    %reduce_sum3A_15 = arith.constant dense<0.000000e+00> : vector<256xf32>
    %reduce_sum3A_16 = vector.multi_reduction <add>, %mul3A_14, %reduce_sum3A_15 [1] : vector<256x512xf32> to vector<256xf32>
    %broadcast_in_dim3A_17 = vector.shape_cast %reduce_sum3A_16 : vector<256xf32> to vector<256x1xf32>
    %get3A_18 = arith.constant 0 : index
    %get3A_19 = arith.constant 0 : index
    %get3A_20 = vector.load %arg7[%get3A_18, %get3A_19] : memref<2048x512xf32, #tpu.memory_space<vmem>>, vector<2048x512xf32>
    %dot_general3A = arith.constant dense<0.000000e+00> : vector<2048x256xf32>
    %dot_general3A_21 = tpu.matmul %get3A_20, %squeeze3A, %dot_general3A {dimension_numbers = #tpu.dot_dimension_numbers<[1], [1], [0], [0], [0, 0, 1, 0], [], []>, transpose_lhs_hint = false} : vector<2048x512xf32>, vector<256x512xf32>, vector<2048x256xf32> -> vector<2048x256xf32>
    %get3A_22 = arith.constant 0 : index
    %get3A_23 = arith.constant 0 : index
    %get3A_24 = vector.load %arg8[%get3A_22, %get3A_23] : memref<2048x1xf32, #tpu.memory_space<vmem>>, vector<2048x1xf32>
    %reshape3A_25 = vector.shape_cast %broadcast_in_dim3A_17 : vector<256x1xf32> to vector<1x256xf32>
    %add3A = vector.broadcast %get3A_24 : vector<2048x1xf32> to vector<2048x256xf32>
    %add3A_26 = vector.broadcast %reshape3A_25 : vector<1x256xf32> to vector<2048x256xf32>
    %add3A_27 = arith.addf %add3A, %add3A_26 : vector<2048x256xf32>
    %add3A_28 = arith.addf %add3A_27, %dot_general3A_21 : vector<2048x256xf32>
    %max3A_29 = arith.constant 0.000000e+00 : f32
    %max3A_30 = vector.broadcast %max3A_29 : f32 to vector<2048x256xf32>
    %max3A_31 = arith.maximumf %add3A_28, %max3A_30 : vector<2048x256xf32>
    %reduce_min3A = arith.constant dense<0x7F800000> : vector<256xf32>
    %reduce_min3A_32 = vector.multi_reduction <minimumf>, %max3A_31, %reduce_min3A [0] : vector<2048x256xf32> to vector<256xf32>
    %argmin3A = tpu.reduce_index %max3A_31 {axis = 0 : i32, kind = #tpu.reduction_kind<arg_min>} : vector<2048x256xf32> -> vector<256xi32>
    %iota3A = tpu.iota {dimensions = array<i32: 0>} : vector<2048x256xi32>
    %broadcast_in_dim3A_33 = vector.shape_cast %argmin3A : vector<256xi32> to vector<1x256xi32>
    %eq3A_34 = vector.broadcast %broadcast_in_dim3A_33 : vector<1x256xi32> to vector<2048x256xi32>
    %eq3A_35 = arith.cmpi eq, %iota3A, %eq3A_34 : vector<2048x256xi32>
    %jit3A = arith.constant 0x7F800000 : f32
    %broadcast_in_dim3A_36 = vector.broadcast %jit3A : f32 to vector<2048x256xf32>
    %select_n3A = arith.select %eq3A_35, %broadcast_in_dim3A_36, %max3A_31 : vector<2048x256xi1>, vector<2048x256xf32>
    %argmin3A_37 = tpu.reduce_index %select_n3A {axis = 0 : i32, kind = #tpu.reduction_kind<arg_min>} : vector<2048x256xf32> -> vector<256xi32>
    %dot_general3A_38 = arith.constant dense<0.000000e+00> : vector<256x2048xf32>
    %dot_general3A_39 = tpu.matmul %squeeze3A, %get3A_20, %dot_general3A_38 {dimension_numbers = #tpu.dot_dimension_numbers<[1], [1], [0], [0], [0, 0, 1, 0], [], []>, transpose_lhs_hint = false} : vector<256x512xf32>, vector<2048x512xf32>, vector<256x2048xf32> -> vector<256x2048xf32>
    %get3A_40 = arith.constant 0 : index
    %get3A_41 = arith.constant 0 : index
    %get3A_42 = vector.load %arg9[%get3A_40, %get3A_41] : memref<1x2048xf32, #tpu.memory_space<vmem>>, vector<1x2048xf32>
    %add3A_43 = vector.broadcast %broadcast_in_dim3A_17 : vector<256x1xf32> to vector<256x2048xf32>
    %add3A_44 = vector.broadcast %get3A_42 : vector<1x2048xf32> to vector<256x2048xf32>
    %add3A_45 = arith.addf %add3A_43, %add3A_44 : vector<256x2048xf32>
    %add3A_46 = arith.addf %add3A_45, %dot_general3A_39 : vector<256x2048xf32>
    %max3A_47 = arith.constant 0.000000e+00 : f32
    %max3A_48 = vector.broadcast %max3A_47 : f32 to vector<256x2048xf32>
    %max3A_49 = arith.maximumf %add3A_46, %max3A_48 : vector<256x2048xf32>
    %reduce_min3A_50 = arith.constant dense<0x7F800000> : vector<2048xf32>
    %reduce_min3A_51 = vector.multi_reduction <minimumf>, %max3A_49, %reduce_min3A_50 [0] : vector<256x2048xf32> to vector<2048xf32>
    %broadcast_in_dim3A_52 = vector.shape_cast %reduce_min3A_51 : vector<2048xf32> to vector<1x2048xf32>
    %argmin3A_53 = tpu.reduce_index %max3A_49 {axis = 0 : i32, kind = #tpu.reduction_kind<arg_min>} : vector<256x2048xf32> -> vector<2048xi32>
    %reshape3A_54 = vector.shape_cast %argmin3A_53 : vector<2048xi32> to vector<1x2048xi32>
    %mul3A_55 = arith.constant 256 : i32
    %mul3A_56 = arith.muli %arg0, %mul3A_55 : i32
    %add3A_57 = vector.broadcast %mul3A_56 : i32 to vector<1x2048xi32>
    %add3A_58 = arith.addi %reshape3A_54, %add3A_57 : vector<1x2048xi32>
    %get3A_59 = arith.constant 0 : index
    %get3A_60 = arith.constant 0 : index
    %get3A_61 = vector.load %arg10[%get3A_59, %get3A_60] : memref<1x2048xf32, #tpu.memory_space<vmem>>, vector<1x2048xf32>
    %lt3A = arith.cmpf olt, %broadcast_in_dim3A_52, %get3A_61 : vector<1x2048xf32>
    %get3A_62 = arith.constant 0 : index
    %get3A_63 = arith.constant 0 : index
    %get3A_64 = vector.load %arg10[%get3A_62, %get3A_63] : memref<1x2048xf32, #tpu.memory_space<vmem>>, vector<1x2048xf32>
    %select_n3A_65 = arith.select %lt3A, %broadcast_in_dim3A_52, %get3A_64 : vector<1x2048xi1>, vector<1x2048xf32>
    %swap3A = arith.constant 0 : index
    %swap3A_66 = arith.constant 0 : index
    %swap3A_67 = vector.load %arg10[%swap3A, %swap3A_66] : memref<1x2048xf32, #tpu.memory_space<vmem>>, vector<1x2048xf32>
    tpu.vector_store %arg10[%swap3A, %swap3A_66], %select_n3A_65 {strides = array<i32>} : memref<1x2048xf32, #tpu.memory_space<vmem>>, vector<1x2048xf32>,
    %get3A_68 = arith.constant 0 : index
    %get3A_69 = arith.constant 0 : index
    %get3A_70 = vector.load %arg11[%get3A_68, %get3A_69] : memref<1x2048xi32, #tpu.memory_space<vmem>>, vector<1x2048xi32>
    %select_n3A_71 = arith.select %lt3A, %add3A_58, %get3A_70 : vector<1x2048xi1>, vector<1x2048xi32>
    %swap3A_72 = arith.constant 0 : index
    %swap3A_73 = arith.constant 0 : index
    %swap3A_74 = vector.load %arg11[%swap3A_72, %swap3A_73] : memref<1x2048xi32, #tpu.memory_space<vmem>>, vector<1x2048xi32>
    tpu.vector_store %arg11[%swap3A_72, %swap3A_73], %select_n3A_71 {strides = array<i32>} : memref<1x2048xi32, #tpu.memory_space<vmem>>, vector<1x2048xi32>,
    %mul3A_75 = arith.constant 256 : i32
    %mul3A_76 = arith.muli %arg0, %mul3A_75 : i32
    %get3A_77 = arith.index_cast %mul3A_76 : i32 to index
    %get3A_78 = arith.constant 0 : index
    %get3A_79 = vector.load %arg6[%get3A_77, %get3A_78] : memref<2048x512xf32, #tpu.memory_space<vmem>>, vector<256x512xf32>
    %add3A_80 = arith.constant 9.99999997E-7 : f32
    %add3A_81 = vector.broadcast %add3A_80 : f32 to vector<256x512xf32>
    %add3A_82 = arith.addf %get3A_79, %add3A_81 : vector<256x512xf32>
    %sub3A = arith.subf %add3A_82, %squeeze3A : vector<256x512xf32>
    %mul3A_83 = arith.mulf %sub3A, %sub3A : vector<256x512xf32>
    %reduce_sum3A_84 = arith.constant dense<0.000000e+00> : vector<256xf32>
    %reduce_sum3A_85 = vector.multi_reduction <add>, %mul3A_83, %reduce_sum3A_84 [1] : vector<256x512xf32> to vector<256xf32>
    %broadcast_in_dim3A_86 = vector.shape_cast %reduce_sum3A_85 : vector<256xf32> to vector<256x1xf32>
    %sqrt3A_87 = math.sqrt %broadcast_in_dim3A_86 : vector<256x1xf32>
    %mul3A_88 = arith.mulf %sqrt3A_87, %sqrt3A_87 : vector<256x1xf32>
    %slice3A_89 = vector.extract_strided_slice %reshape3A_12 {offsets = [1, 0, 0], sizes = [1, 256, 512], strides = [1, 1, 1]} : vector<6x256x512xf32> to vector<1x256x512xf32>
    %squeeze3A_90 = vector.shape_cast %slice3A_89 : vector<1x256x512xf32> to vector<256x512xf32>
    %sub3A_91 = arith.subf %add3A_82, %squeeze3A_90 : vector<256x512xf32>
    %mul3A_92 = arith.mulf %sub3A_91, %sub3A_91 : vector<256x512xf32>
    %reduce_sum3A_93 = arith.constant dense<0.000000e+00> : vector<256xf32>
    %reduce_sum3A_94 = vector.multi_reduction <add>, %mul3A_92, %reduce_sum3A_93 [1] : vector<256x512xf32> to vector<256xf32>
    %broadcast_in_dim3A_95 = vector.shape_cast %reduce_sum3A_94 : vector<256xf32> to vector<256x1xf32>
    %sqrt3A_96 = math.sqrt %broadcast_in_dim3A_95 : vector<256x1xf32>
    %sub3A_97 = arith.constant 1.100000e+00 : f32
    %sub3A_98 = vector.broadcast %sub3A_97 : f32 to vector<256x1xf32>
    %sub3A_99 = arith.subf %sub3A_98, %sqrt3A_96 : vector<256x1xf32>
    %max3A_100 = arith.constant 0.000000e+00 : f32
    %max3A_101 = vector.broadcast %max3A_100 : f32 to vector<256x1xf32>
    %max3A_102 = arith.maximumf %sub3A_99, %max3A_101 : vector<256x1xf32>
    %mul3A_103 = arith.mulf %max3A_102, %max3A_102 : vector<256x1xf32>
    %add3A_104 = arith.addf %mul3A_88, %mul3A_103 : vector<256x1xf32>
    %slice3A_105 = vector.extract_strided_slice %reshape3A_12 {offsets = [2, 0, 0], sizes = [1, 256, 512], strides = [1, 1, 1]} : vector<6x256x512xf32> to vector<1x256x512xf32>
    %squeeze3A_106 = vector.shape_cast %slice3A_105 : vector<1x256x512xf32> to vector<256x512xf32>
    %sub3A_107 = arith.subf %add3A_82, %squeeze3A_106 : vector<256x512xf32>
    %mul3A_108 = arith.mulf %sub3A_107, %sub3A_107 : vector<256x512xf32>
    %reduce_sum3A_109 = arith.constant dense<0.000000e+00> : vector<256xf32>
    %reduce_sum3A_110 = vector.multi_reduction <add>, %mul3A_108, %reduce_sum3A_109 [1] : vector<256x512xf32> to vector<256xf32>
    %broadcast_in_dim3A_111 = vector.shape_cast %reduce_sum3A_110 : vector<256xf32> to vector<256x1xf32>
    %sqrt3A_112 = math.sqrt %broadcast_in_dim3A_111 : vector<256x1xf32>
    %sub3A_113 = arith.constant 1.100000e+00 : f32
    %sub3A_114 = vector.broadcast %sub3A_113 : f32 to vector<256x1xf32>
    %sub3A_115 = arith.subf %sub3A_114, %sqrt3A_112 : vector<256x1xf32>
    %max3A_116 = arith.constant 0.000000e+00 : f32
    %max3A_117 = vector.broadcast %max3A_116 : f32 to vector<256x1xf32>
    %max3A_118 = arith.maximumf %sub3A_115, %max3A_117 : vector<256x1xf32>
    %mul3A_119 = arith.mulf %max3A_118, %max3A_118 : vector<256x1xf32>
    %add3A_120 = arith.addf %add3A_104, %mul3A_119 : vector<256x1xf32>
    %slice3A_121 = vector.extract_strided_slice %reshape3A_12 {offsets = [3, 0, 0], sizes = [1, 256, 512], strides = [1, 1, 1]} : vector<6x256x512xf32> to vector<1x256x512xf32>
    %squeeze3A_122 = vector.shape_cast %slice3A_121 : vector<1x256x512xf32> to vector<256x512xf32>
    %sub3A_123 = arith.subf %add3A_82, %squeeze3A_122 : vector<256x512xf32>
    %mul3A_124 = arith.mulf %sub3A_123, %sub3A_123 : vector<256x512xf32>
    %reduce_sum3A_125 = arith.constant dense<0.000000e+00> : vector<256xf32>
    %reduce_sum3A_126 = vector.multi_reduction <add>, %mul3A_124, %reduce_sum3A_125 [1] : vector<256x512xf32> to vector<256xf32>
    %broadcast_in_dim3A_127 = vector.shape_cast %reduce_sum3A_126 : vector<256xf32> to vector<256x1xf32>
    %sqrt3A_128 = math.sqrt %broadcast_in_dim3A_127 : vector<256x1xf32>
    %sub3A_129 = arith.constant 1.100000e+00 : f32
    %sub3A_130 = vector.broadcast %sub3A_129 : f32 to vector<256x1xf32>
    %sub3A_131 = arith.subf %sub3A_130, %sqrt3A_128 : vector<256x1xf32>
    %max3A_132 = arith.constant 0.000000e+00 : f32
    %max3A_133 = vector.broadcast %max3A_132 : f32 to vector<256x1xf32>
    %max3A_134 = arith.maximumf %sub3A_131, %max3A_133 : vector<256x1xf32>
    %mul3A_135 = arith.mulf %max3A_134, %max3A_134 : vector<256x1xf32>
    %add3A_136 = arith.addf %add3A_120, %mul3A_135 : vector<256x1xf32>
    %slice3A_137 = vector.extract_strided_slice %reshape3A_12 {offsets = [4, 0, 0], sizes = [1, 256, 512], strides = [1, 1, 1]} : vector<6x256x512xf32> to vector<1x256x512xf32>
    %squeeze3A_138 = vector.shape_cast %slice3A_137 : vector<1x256x512xf32> to vector<256x512xf32>
    %sub3A_139 = arith.subf %add3A_82, %squeeze3A_138 : vector<256x512xf32>
    %mul3A_140 = arith.mulf %sub3A_139, %sub3A_139 : vector<256x512xf32>
    %reduce_sum3A_141 = arith.constant dense<0.000000e+00> : vector<256xf32>
    %reduce_sum3A_142 = vector.multi_reduction <add>, %mul3A_140, %reduce_sum3A_141 [1] : vector<256x512xf32> to vector<256xf32>
    %broadcast_in_dim3A_143 = vector.shape_cast %reduce_sum3A_142 : vector<256xf32> to vector<256x1xf32>
    %sqrt3A_144 = math.sqrt %broadcast_in_dim3A_143 : vector<256x1xf32>
    %sub3A_145 = arith.constant 1.100000e+00 : f32
    %sub3A_146 = vector.broadcast %sub3A_145 : f32 to vector<256x1xf32>
    %sub3A_147 = arith.subf %sub3A_146, %sqrt3A_144 : vector<256x1xf32>
    %max3A_148 = arith.constant 0.000000e+00 : f32
    %max3A_149 = vector.broadcast %max3A_148 : f32 to vector<256x1xf32>
    %max3A_150 = arith.maximumf %sub3A_147, %max3A_149 : vector<256x1xf32>
    %mul3A_151 = arith.mulf %max3A_150, %max3A_150 : vector<256x1xf32>
    %add3A_152 = arith.addf %add3A_136, %mul3A_151 : vector<256x1xf32>
    %slice3A_153 = vector.extract_strided_slice %reshape3A_12 {offsets = [5, 0, 0], sizes = [1, 256, 512], strides = [1, 1, 1]} : vector<6x256x512xf32> to vector<1x256x512xf32>
    %squeeze3A_154 = vector.shape_cast %slice3A_153 : vector<1x256x512xf32> to vector<256x512xf32>
    %sub3A_155 = arith.subf %add3A_82, %squeeze3A_154 : vector<256x512xf32>
    %mul3A_156 = arith.mulf %sub3A_155, %sub3A_155 : vector<256x512xf32>
    %reduce_sum3A_157 = arith.constant dense<0.000000e+00> : vector<256xf32>
    %reduce_sum3A_158 = vector.multi_reduction <add>, %mul3A_156, %reduce_sum3A_157 [1] : vector<256x512xf32> to vector<256xf32>
    %broadcast_in_dim3A_159 = vector.shape_cast %reduce_sum3A_158 : vector<256xf32> to vector<256x1xf32>
    %sqrt3A_160 = math.sqrt %broadcast_in_dim3A_159 : vector<256x1xf32>
    %sub3A_161 = arith.constant 1.100000e+00 : f32
    %sub3A_162 = vector.broadcast %sub3A_161 : f32 to vector<256x1xf32>
    %sub3A_163 = arith.subf %sub3A_162, %sqrt3A_160 : vector<256x1xf32>
    %max3A_164 = arith.constant 0.000000e+00 : f32
    %max3A_165 = vector.broadcast %max3A_164 : f32 to vector<256x1xf32>
    %max3A_166 = arith.maximumf %sub3A_163, %max3A_165 : vector<256x1xf32>
    %mul3A_167 = arith.mulf %max3A_166, %max3A_166 : vector<256x1xf32>
    %add3A_168 = arith.addf %add3A_152, %mul3A_167 : vector<256x1xf32>
    %reshape3A_169 = vector.shape_cast %add3A_168 : vector<256x1xf32> to vector<256xf32>
    %iota3A_170 = tpu.iota {dimensions = array<i32: 1>} : vector<1x256xi32>
    %iota3A_171 = vector.shape_cast %iota3A_170 : vector<1x256xi32> to vector<256xi32>
    %mul3A_172 = arith.constant 256 : i32
    %mul3A_173 = arith.muli %arg0, %mul3A_172 : i32
    %add3A_174 = vector.broadcast %mul3A_173 : i32 to vector<256xi32>
    %add3A_175 = arith.addi %iota3A_171, %add3A_174 : vector<256xi32>
    %sqrt3A_176 = math.sqrt %reduce_min3A_32 : vector<256xf32>
    %convert_element_type3A_177 = arith.sitofp %argmin3A_37 : vector<256xi32> to vector<256xf32>
    %div3A_178 = arith.divf %sqrt3A_176, %convert_element_type3A_177 : vector<256xf32>
    %eq3A_179 = arith.cmpi eq, %argmin3A, %add3A_175 : vector<256xi32>
    %le3A = arith.constant 0.899999976 : f32
    %le3A_180 = vector.broadcast %le3A : f32 to vector<256xf32>
    %le3A_181 = arith.cmpf ole, %div3A_178, %le3A_180 : vector<256xf32>
    %and3A = arith.andi %eq3A_179, %le3A_181 : vector<256xi1>
    %swap3A_182 = arith.index_cast %arg0 : i32 to index
    %swap3A_183 = arith.constant 0 : index
    %swap3A_184 = vector.load %arg3[%swap3A_182, %swap3A_183] : memref<8x256xi32, #tpu.memory_space<vmem>>, vector<1x256xi32>
    %swap3A_185 = vector.shape_cast %swap3A_184 : vector<1x256xi32> to vector<256xi32>
    %swap3A_186 = vector.shape_cast %argmin3A : vector<256xi32> to vector<1x256xi32>
    tpu.vector_store %arg3[%swap3A_182, %swap3A_183], %swap3A_186 {strides = array<i32>} : memref<8x256xi32, #tpu.memory_space<vmem>>, vector<1x256xi32>,
    %jit3A_187 = arith.constant 0.000000e+00 : f32
    %broadcast_in_dim3A_188 = vector.broadcast %jit3A_187 : f32 to vector<256xf32>
    %select_n3A_189 = arith.select %and3A, %reshape3A_169, %broadcast_in_dim3A_188 : vector<256xi1>, vector<256xf32>
    %swap3A_190 = arith.index_cast %arg0 : i32 to index
    %swap3A_191 = arith.constant 0 : index
    %swap3A_192 = vector.load %arg5[%swap3A_190, %swap3A_191] : memref<8x256xf32, #tpu.memory_space<vmem>>, vector<1x256xf32>
    %swap3A_193 = vector.shape_cast %swap3A_192 : vector<1x256xf32> to vector<256xf32>
    %swap3A_194 = vector.shape_cast %select_n3A_189 : vector<256xf32> to vector<1x256xf32>
    tpu.vector_store %arg5[%swap3A_190, %swap3A_191], %swap3A_194 {strides = array<i32>} : memref<8x256xf32, #tpu.memory_space<vmem>>, vector<1x256xf32>,
    %eq3A_195 = arith.constant 7 : i32
    %eq3A_196 = arith.cmpi eq, %arg0, %eq3A_195 : i32
    %convert_element_type3A_197 = arith.extui %eq3A_196 : i1 to i32
    %cond3A_198 = arith.constant 0 : i32
    %cond3A_199 = arith.cmpi ne, %convert_element_type3A_197, %cond3A_198 : i32
    scf.if %cond3A_199 {
      %get3A_200 = arith.constant 0 : index
      %get3A_201 = arith.constant 0 : index
      %get3A_202 = vector.load %arg11[%get3A_200, %get3A_201] : memref<1x2048xi32, #tpu.memory_space<vmem>>, vector<1x2048xi32>
      %swap3A_203 = arith.constant 0 : index
      %swap3A_204 = arith.constant 0 : index
      %swap3A_205 = vector.load %arg4[%swap3A_203, %swap3A_204] : memref<1x2048xi32, #tpu.memory_space<vmem>>, vector<1x2048xi32>
      tpu.vector_store %arg4[%swap3A_203, %swap3A_204], %get3A_202 {strides = array<i32>} : memref<1x2048xi32, #tpu.memory_space<vmem>>, vector<1x2048xi32>,
    } else {
    }
    return
  }
  func.func @transform_0(%arg0: i32) -> (i32, i32, i32) {
    %c0_i32 = arith.constant 0 : i32
    %c0_i32_0 = arith.constant 0 : i32
    %c0_i32_1 = arith.constant 0 : i32
    %c0_i32_2 = arith.constant 0 : i32
    return %c0_i32, %c0_i32_0, %c0_i32_1 : i32, i32, i32
  }
  func.func @transform_1(%arg0: i32) -> (i32, i32, i32) {
    %c0_i32 = arith.constant 0 : i32
    %c0_i32_0 = arith.constant 0 : i32
    %c0_i32_1 = arith.constant 0 : i32
    return %c0_i32, %arg0, %c0_i32_0 : i32, i32, i32
  }
  func.func @transform_2(%arg0: i32) -> (i32, i32) {
    %c0_i32 = arith.constant 0 : i32
    %c0_i32_0 = arith.constant 0 : i32
    %c0_i32_1 = arith.constant 0 : i32
    return %c0_i32, %c0_i32_0 : i32, i32
  }
  func.func @transform_3(%arg0: i32) -> (i32, i32) {
    %c0_i32 = arith.constant 0 : i32
    %c0_i32_0 = arith.constant 0 : i32
    %c0_i32_1 = arith.constant 0 : i32
    return %c0_i32, %c0_i32_0 : i32, i32
  }
  func.func @transform_4(%arg0: i32) -> (i32, i32) {
    %c0_i32 = arith.constant 0 : i32
    %c0_i32_0 = arith.constant 0 : i32
    %c0_i32_1 = arith.constant 0 : i32
    return %c0_i32, %c0_i32_0 : i32, i32
  }
}

</mosaic_0001>

<sc_bundles>
// kernel: kernel.4.cloned.1.call-start
scs
__scs_entry_jumppad:
0x0: {  	(pc) =	sbr.rel $0x88, $3  }
0x1: {  	(tag) =	ssettag $0x0;
	lr =	simm.s32 $0x1  }
0x2: {  	[smem:$0x3FA0] =	sst lr;
	_ =	strace $0xD0000000  }
0x3: {  	_ = 	snop  }
0x4: {  	_ = 	snop  }
0x5: {  	_ = 	snop  }
0x6: {  	_ = 	snop  }
0x7: {  	_ = 	snop  }
__scs_overlays_trampoline_lowered:
0x8: {  	[smem:$0x3FAF] =	sst s0  }
0x9: {  	[smem:$0x3FB0] =	sst s1  }
0xa: {  	[smem:$0x3FB1] =	sst s2  }
0xb: {  	[smem:$0x3FB2] =	sst s3  }
0xc: {  	[smem:$0x3FB3] =	sst s4  }
0xd: {  	[smem:$0x3FB4] =	sst s5  }
0xe: {  	[smem:$0x3FB5] =	sst s6  }
0xf: {  	[smem:$0x3FB6] =	sst s7  }
0x10: {  	[smem:$0x3FB7] =	sst s8  }
0x11: {  	[smem:$0x3FB8] =	sst s9;
	s0 =	simm.s32 @!p0 $0x0  }
0x12: {  	s1 =	sld [smem:$0x3F9E];
	s0 =	simm.s32 @p0 $0x1  }
0x13: {  	[smem:$0x3FB9] =	sst s0;
	s0 =	simm.s32 @!p1 $0x0  }
0x14: {  	s2 =	sld [smem:$0x3F9D];
	s0 =	simm.s32 @p1 $0x1  }
0x15: {  	[smem:$0x3FBA] =	sst s0;
	s0 =	simm.s32 @!p2 $0x0  }
0x16: {  	s3 =	sld [smem:$0x3FDB];
	s0 =	simm.s32 @p2 $0x1  }
0x17: {  	s4 =	simm.s32 $0x1BF5;
	[smem:$0x3FBC] =	sst s0  }
0x18: {  	s0 =	sld [smem:$0x3F9F];
	_ =	swait.ge [sflag:s4], $0x0  }
0x19: {  	s7 =	sld [smem:$0x3FA0]  }
0x1a: {  	s8 =	sadd.s32 $0xFFFFE003, lr  }
0x1b: {  	s9 =	sadd.s32 $0xFFFFFEF7, lr;
	s5 =	simm.s32 $0xFFFFFFFF;
	p2 =	slt.u32 s8, $0xFFFFF086  }
0x1c: {  	p1 =	slt.u32 s9, $0xF7A;
	s5 =	simm.s32 @!p2 $0x0  }
0x1d: {  	s5 =	simm.s32 @p1 $0x1;
	p0 =	seq.s32 s7, s2  }
0x1e: {  	s7 =	smul.u32 @!p0 $0xF7A, s2;
	p2 =	seq.s32 @!p0 s5, $0x0  }
0x1f: {  	s9 =	smul.u32 $0xF7A, s1;
	s8 =	simm.s32 @!p0 $0x1BF5;
	p2 =	por !p2, p0  }
0x20: {  	[sflag:s8] =	ssyncset.s32 @!p0 $0xFFFFF086;
	s6 =	sadd.s32 @!p0 s3, s7;
	s7 =	simm.s32 @!p0 $0x108  }
0x21: {  	s3 =	sadd.s32 s3, s9;
	s6 =	sadd.s32 @!p0 $0x88, s6;
	s7 =	simm.s32 @p2 $0x1082  }
0x22: {  	[simem:s7], [sflag:s8] =	dma.local @!p0 [hbm:s6], $0xF7A  }
0x23: {  	s9 =	sor.u32 $0xD0000000, s2;
	s6 =	simm.s32 $0x108;
	_ =	swait.ge @!p0 [sflag:s8], $0x0  }
0x24: {  	s3 =	sadd.s32 $0x88, s3;
	s6 =	simm.s32 @!p1 $0x1082;
	[sflag:s4] =	ssyncset.s32 $0xFFFFF086  }
0x25: {  	[simem:s6], [sflag:s4] =	dma.local [hbm:s3], $0xF7A  }
0x26: {  	[smem:$0x3FA0] =	sst s1;
	(tag) =	ssettag s2;
	_ =	strace s9  }
0x27: {  	s1 =	sld [smem:$0x3FB0]  }
0x28: {  	s2 =	sld [smem:$0x3FB1]  }
0x29: {  	s4 =	sld [smem:$0x3FB3]  }
0x2a: {  	p0 =	seq.s32 s5, $0x0;
	s5 =	sld [smem:$0x3FB4]  }
0x2b: {  	s6 =	sld [smem:$0x3FB5]  }
0x2c: {  	s7 =	sld [smem:$0x3FB6]  }
0x2d: {  	s3 =	simm.s32 $0x108;
	s8 =	sld [smem:$0x3FB7]  }
0x2e: {  	s3 =	simm.s32 @!p0 $0x1082;
	s9 =	sld [smem:$0x3FB8]  }
0x2f: {  	lr =	sadd.s32 s0, s3;
	s0 =	sld [smem:$0x3FAF]  }
0x30: {  	s3 =	sld [smem:$0x3FB2]  }
0x31: {  	[smem:$0x3FBB] =	sst s10  }
0x32: {  	s10 =	sld [smem:$0x3FB9];
	_ =	sdelay $0x3  }
0x33: {  	p0 =	seq.s32 s10, $0x1;
	s10 =	sld [smem:$0x3FBB];
	_ =	sdelay $0x3  }
0x34: {  	[smem:$0x3FBB] =	sst s10  }
0x35: {  	s10 =	sld [smem:$0x3FBA];
	_ =	sdelay $0x3  }
0x36: {  	p1 =	seq.s32 s10, $0x1;
	s10 =	sld [smem:$0x3FBB];
	_ =	sdelay $0x3  }
0x37: {  	[smem:$0x3FBB] =	sst s10  }
0x38: {  	s10 =	sld [smem:$0x3FBC]  }
0x39: {  	_ = 	snop;
	(pc) =	sbr.ind lr, $3  }
0x3a: {  	_ = 	snop  }
0x3b: {  	_ = 	snop  }
0x3c: {  	p2 =	seq.s32 s10, $0x1;
	s10 =	sld [smem:$0x3FBB]  }
0x3d: {  	_ =	shalt  }
0x3e: {  	_ =	shalt  }
0x3f: {  	_ =	shalt  }
0x40: {  	_ =	shalt  }
0x41: {  	_ =	shalt  }
0x42: {  	_ =	shalt  }
0x43: {  	_ =	shalt  }
0x44: {  	_ =	shalt  }
0x45: {  	_ =	shalt  }
0x46: {  	_ =	shalt  }
0x47: {  	_ =	shalt  }
0x48: {  	_ =	shalt  }
0x49: {  	_ =	shalt  }
0x4a: {  	_ =	shalt  }
0x4b: {  	_ =	shalt  }
0x4c: {  	_ =	shalt  }
0x4d: {  	_ =	shalt  }
0x4e: {  	_ =	shalt  }
0x4f: {  	_ =	shalt  }
0x50: {  	_ =	shalt  }
0x51: {  	_ =	shalt  }
0x52: {  	_ =	shalt  }
0x53: {  	_ =	shalt  }
0x54: {  	_ =	shalt  }
0x55: {  	_ =	shalt  }
0x56: {  	_ =	shalt  }
0x57: {  	_ =	shalt  }
0x58: {  	_ =	shalt  }
0x59: {  	_ =	shalt  }
0x5a: {  	_ =	shalt  }
0x5b: {  	_ =	shalt  }
0x5c: {  	_ =	shalt  }
0x5d: {  	_ =	shalt  }
0x5e: {  	_ =	shalt  }
0x5f: {  	_ =	shalt  }
0x60: {  	_ =	shalt  }
0x61: {  	_ =	shalt  }
0x62: {  	_ =	shalt  }
0x63: {  	_ =	shalt  }
0x64: {  	_ =	shalt  }
0x65: {  	_ =	shalt  }
0x66: {  	_ =	shalt  }
0x67: {  	_ =	shalt  }
0x68: {  	_ =	shalt  }
0x69: {  	_ =	shalt  }
0x6a: {  	_ =	shalt  }
0x6b: {  	_ =	shalt  }
0x6c: {  	_ =	shalt  }
0x6d: {  	_ =	shalt  }
0x6e: {  	_ =	shalt  }
0x6f: {  	_ =	shalt  }
0x70: {  	_ =	shalt  }
0x71: {  	_ =	shalt  }
0x72: {  	_ =	shalt  }
0x73: {  	_ =	shalt  }
0x74: {  	_ =	shalt  }
0x75: {  	_ =	shalt  }
0x76: {  	_ =	shalt  }
0x77: {  	_ =	shalt  }
0x78: {  	_ =	shalt  }
0x79: {  	_ =	shalt  }
0x7a: {  	_ =	shalt  }
0x7b: {  	_ =	shalt  }
0x7c: {  	_ =	shalt  }
0x7d: {  	_ =	shalt  }
0x7e: {  	_ =	shalt  }
0x7f: {  	_ =	shalt  }
0x80: {  	_ =	shalt  }
0x81: {  	_ =	shalt  }
0x82: {  	_ =	shalt  }
0x83: {  	_ =	shalt  }
0x84: {  	_ =	shalt  }
0x85: {  	_ =	shalt  }
0x86: {  	_ =	shalt  }
0x87: {  	_ =	shalt  }
.Lfunc_end0:
.L_simem_size_0:
called_computation_lowered:
.L_overlay_start_0:
0x88: {  	s0 =	sld [smem:$0x3FD9]  }
0x89: {  	s1 =	sld [smem:$0x3FFE];
	_ =	sdelay $0x3  }
0x8a: {  	s0 =	sadd.s32 s1, s0  }
0x8b: {  	[smem:$0x3FC7] =	sst s0  }
0x8c: {  	_ = 	snop  }
0x8d: {  	(tm) =	ssettm $0x1  }
0x8e: {  	s15 =	sld [smem:$0x3FFB];
	_ =	sdelay $0x3  }
0x8f: {  	_ =	strace s15  }
0x90: {  	s0 =	sld [smem:$0x3FFC];
	_ =	sdelay $0x3  }
0x91: {  	_ =	strace s0  }
0x92: {  	s0 =	sld [smem:$0x3FFD];
	_ =	sdelay $0x3  }
0x93: {  	_ =	strace s0  }
0x94: {  	_ =	strace $0x8FFFFFFF  }
0x95: {  	s16 =	sld [smem:$0x3FDB];
	_ =	sdelay $0x1  }
0x96: {  	s17 =	simm.s32 $_scs_section_size  }
0x97: {  	s2 =	simm.s32 $_size__tile_overlayer_lowered;
	s3 =	simm.s32 $_tile_overlayer_lowered  }
0x98: {  	s20 =	simm.s32 $0x1BFF;
	s19 =	sshll.u32 s3, $0x1;
	s0 =	sadd.s32 s17, s16  }
0x99: {  	s4 =	simm.s32 $0x0;
	s18 =	sshll.u32 s2, $0x1;
	s2 =	sadd.s32 s19, s0  }
0x9a: {  	[timem:s4], [sflag:s20] =	dma.local [hbm:s2], s18  }
0x9b: {  	_ =	swait.ge [sflag:s20], s18  }
0x9c: {  	s1 =	ssub.s32 $0x0, s18;
	[sflag:s20] =	ssyncset.done $0x0  }
0x9d: {  	[sflag:s20] =	ssyncadd.s32 s1;
	_ =	sdelay $0x1  }
0x9e: {  	s21 =	simm.s32 $0x1B8B  }
0x9f: {  	_ =	swait.ge [sflag:s21], $0x1  }
0xa0: {  	[sflag:s21] =	ssyncset.done $0x0  }
0xa1: {  	s23 =	simm.s32 $0x1B8E;
	s22 =	sld [smem:$0x3FFE];
	[sflag:s21] =	ssyncadd.s32 $0xFFFFFFFF  }
0xa2: {  	s24 =	simm.s32 $execute0_lowered;
	[smem:$0x3FD2] =	sst s23  }
0xa3: {  	s2 =	sshll.u32 s24, $0x1;
	_ =	strace $0x80000046;
	[dreg:$0x1] =	wrdreg $0xFFFFFFFF  }
0xa4: {  	s25 =	simm.s32 $_size_execute0_lowered;
	s0 =	sadd.s32 s0, s2;
	[dreg:$0x0] =	wrdreg $0x0  }
0xa5: {  	s2 =	sshll.u32 s25, $0x1;
	[dreg:$0x2] =	wrdreg s0  }
0xa6: {  	[dreg:$0x3] =	wrdreg s2  }
0xa7: {  	[dreg:$0x4] =	wrdreg $0xC0  }
0xa8: {  	_ =	task [dreg:s4], $0x5FFFF  }
0xa9: {  	[dreg:$0x1] =	wrdreg $0xFFFFFFFF  }
0xaa: {  	[dreg:$0x0] =	wrdreg $0x60  }
0xab: {  	[dreg:$0x2] =	wrdreg s22  }
0xac: {  	[dreg:$0x3] =	wrdreg $0x9  }
0xad: {  	_ =	task.clear_ibuf [dreg:s4], $0x4FFFF;
	_ =	strace $0x90000046  }
0xae: {  	s26 =	simm.s32 $0x9;
	_ =	strace $0x80000048  }
0xaf: {  	_ =	swait.ge [sflag:s26], $0x1  }
0xb0: {  	[sflag:s26] =	ssyncadd.s32 $0xFFFFFFFF  }
0xb1: {  	_ =	strace $0x90000048  }
0xb2: {  	_ =	sfence  }
0xb3: {  	s28 =	sld [smem:$0x0];
	_ =	sdelay $0x1  }
0xb4: {  	s29 =	srdreg.scid  }
0xb5: {  	s30 =	sshll.u32 s29, $0xD;
	s31 =	sshrl.u32 s29, $0x2  }
0xb6: {  	s1 =	sand.u32 $0x1, s29;
	s2 =	sand.u32 $0x4000, s30;
	s0 =	sadd.s32 s31, s28  }
0xb7: {  	s1 =	sor.u32 s2, s1;
	s0 =	sshll.u32 s0, $0x11  }
0xb8: {  	s0 =	sor.u32 s0, s1  }
0xb9: {  	s0 =	sadd.s32 $0x8F2B, s0  }
0xba: {  	[sflag:s0] =	ssyncadd.remote.s32 $0x1  }
0xbb: {  	_ =	sfence.sel $0xFFFF  }
0xbc: {  	[dreg:$0x0] =	wrdreg $0xFFFFFFFF;
	(pc) =	sbr.abs _section_cstart, $3  }
0xbd: {  	[dreg:$0x1] =	wrdreg $0xFFFFFFFF  }
0xbe: {  	_ =	task.clear_ibuf [dreg:s4], $0x2FFFF;
	_ =	strace $0x9FFFFFFF  }
0xbf: {  	(tm) =	ssettm $0x7FFFFFFF  }
tec
execute0_lowered:
.L_overlay_start_1:
0x0: {  	(tag) =	ssettag $0x1  }
0x1: {  	s3 =	rddreg [dreg:$0x0]  }
0x2: {  	s0 =	rddreg [dreg:$0x1];
	s2 =	simm.s32 $0x0  }
0x3: {  	s1 =	stileid.u32;
	s7 =	simm.s32 $0x1;
	[smem:$0x7FF] =	sst s2  }
0x4: {  	s4 =	sadd.s32 $0xA00, s3;
	s5 =	sshrl.u32 s1, $0x1;
	s6 =	sshll.u32 s1, $0x7  }
0x5: {  	_ =	strace $0x80000047;
	s28 =	sand.u32 $0x80, s6;
	s29 =	sshll.u32 s5, $0x4  }
0x6: {  	[tilespmem:s2], [sflag:$0x1] =	stream.linear.gather [hbm4b:s4+s2], $0x800, $0x38;
	[tilespmem:$0x980] =	vst v63  }
0x7: {  	s6 =	sor.u32 s29, s28;
	_ =	swait.ge [sflag:s7], $0x800  }
0x8: {  	s6 =	sadd.s32 s6, s3;
	[sflag:s7] =	ssyncset.done $0x0  }
0x9: {  	s9 =	simm.s32 $0x800;
	s8 =	sadd.s32 $0x800, s6;
	[sflag:s7] =	ssyncadd.s32 $0xFFFFF800  }
0xa: {  	[tilespmem:s9], [sflag:$0x1] =	stream.linear.gather [hbm4b:s8+s2], $0x80, $0x38;
	[tilespmem:$0x980] =	vst v63  }
0xb: {  	_ =	swait.ge [sflag:s7], $0x80  }
0xc: {  	[sflag:s7] =	ssyncset.done $0x0  }
0xd: {  	s30 =	simm.s32 $0x880;
	s6 =	sadd.s32 $0xC00, s6;
	[sflag:s7] =	ssyncadd.s32 $0xFFFFFF80  }
0xe: {  	[tilespmem:s30], [sflag:$0x1] =	stream.linear.gather [hbm4b:s6+s2], $0x80, $0x38;
	[tilespmem:$0x980] =	vst v63  }
0xf: {  	_ =	swait.ge [sflag:s7], $0x80  }
0x10: {  	[sflag:s7] =	ssyncset.done $0x0  }
0x11: {  	v1 =	vimm.f32 $0.0e+00;
	[sflag:s7] =	ssyncadd.s32 $0xFFFFFF80  }
0x12: {  	s31 =	simm.s32 $0x0;
	[tilespmem:$0x900] =	vst v1  }
0x13: {  	v0 =	vld [tilespmem:s31+$0x800];
	_ =	sdelay $0x7  }
0x14: {  	v2 =	vld.idx.msk [tilespmem:v0+s2+$0x0], $0xffff  }
0x15: {  	v3 =	vld [tilespmem:s31+$0x880]  }
0x16: {  	s5 =	sshll.u32 s5, $0x8  }
0x17: {  	s4 =	sor.u32 s28, s5;
	v0 =	vlaneseq.u32  }
0x18: {  	v4 =	vor.u32 s4, v0  }
0x19: {  	vm0 =	veq.s32 v2, v4  }
0x1a: {  	v2 =	vnsel vm0, $0x0, v3  }
0x1b: {  	v1 =	vadd.f32 v2, v1;
	_ =	sdelay $0x1  }
0x1c: {  	s5 =	simm.s32 $0x80;
	s3 =	sadd.s32 $0xE00, s3;
	s6 =	simm.s32 $0x10;
	[tilespmem:$0x900] =	vst v1  }
.LBB2_1:
0x1d: {  	p0 =	sne.s32 s5, $0x1C0;
	v2 =	vld [tilespmem:s6+$0x800];
	_ =	sdelay $0x7  }
0x1e: {  	v2 =	vld.idx.msk [tilespmem:v2+s2+$0x0], $0xffff;
	_ =	sdelay $0x1  }
0x1f: {  	v3 =	vld [tilespmem:s6+$0x880];
	_ =	sdelay $0x1  }
0x20: {  	s4 =	sadd.s32 $0x10, s4  }
0x21: {  	v4 =	vor.u32 s4, v0  }
.Ltmp0:
0x22: {  	vm0 =	veq.s32 v2, v4;
	(pc) =	sbr.rel @p0 .LBB2_1-.Ltmp0, $3  }
0x23: {  	v2 =	vnsel vm0, $0x0, v3  }
0x24: {  	v1 =	vadd.f32 v2, v1;
	_ =	sdelay $0x1  }
0x25: {  	s6 =	sshra.s32 s5, $0x2;
	s5 =	sadd.s32 $0x40, s5;
	[tilespmem:$0x900] =	vst v1  }
0x26: {  	v2 =	vld [tilespmem:s6+$0x800];
	_ =	sdelay $0x7  }
0x27: {  	v2 =	vld.idx.msk [tilespmem:v2+s2+$0x0], $0xffff  }
0x28: {  	v3 =	vld [tilespmem:s6+$0x880];
	_ =	sdelay $0x1  }
0x29: {  	s26 =	sadd.s32 $0x10, s4  }
0x2a: {  	v0 =	vor.u32 s26, v0  }
0x2b: {  	vm0 =	veq.s32 v2, v0  }
0x2c: {  	v0 =	vnsel vm0, $0x0, v3  }
0x2d: {  	v0 =	vadd.f32 v0, v1  }
0x2e: {  	s28 =	sshll.u32 s1, $0x4;
	s29 =	simm.s32 $0x0  }
0x2f: {  	s30 =	simm.s32 $0x900;
	s31 =	simm.s32 $0x1;
	s2 =	sadd.s32 s3, s28;
	[tilespmem:$0x900] =	vst v0  }
0x30: {  	[hbm4b:s2+s29] =	stream.linear.scatter [tilespmem:s30], [sflag:$0x1], $0x80, $0x38;
	[tilespmem:$0x980] =	vst v63  }
0x31: {  	_ =	swait.ge [sflag:s31], $0x80  }
0x32: {  	[sflag:s31] =	ssyncset.done $0x0  }
0x33: {  	[sflag:s31] =	ssyncadd.s32 $0xFFFFFF80  }
0x34: {  	_ =	sfence.sel $0x180000  }
0x35: {  	[bflag:$0x0] =	sbarrier.arrive $0xFFFF  }
0x36: {  	p0 =	sne.s32 s1, $0x0;
	_ =	strace $0x90000047  }
0x37: {  	s0 =	sadd.s32 @!p0 $0x100000, s0;
	[bflag:$0x2] =	sbarrier.arrive $0xFFFF  }
0x38: {  	[sflag:s0] =	ssyncadd.tile.s32 @!p0 $0x1;
	_ =	shalt  }
.Lfunc_end2:
_tile_overlayer_lowered:
.L_overlay_start_2:
0x39: {  	(tag) =	ssettag $0x2  }
0x3a: {  	s0 =	rddreg [dreg:$0x0];
	s2 =	stileid.u32  }
0x3b: {  	s1 =	rddreg [dreg:$0x1];
	p0 =	sne.s32 s2, $0x0  }
0x3c: {  	s3 =	rddreg [dreg:$0x2];
	[bflag:$0x3] =	sbarrier.arrive $0xFFFF;
	s2 =	simm.s32 @!p0 $0x1C01  }
0x3d: {  	[timem:s3], [sflag:s2] =	dma.local @!p0 [hbm:s0], s1  }
0x3e: {  	s0 =	simm.s32 @!p0 $0x1  }
0x3f: {  	_ =	swait.ge @!p0 [sflag:s0], s1  }
0x40: {  	s1 =	ssub.s32 @!p0 $0x0, s1;
	[sflag:s0] =	ssyncset.done @!p0 $0x0  }
0x41: {  	[sflag:s0] =	ssyncadd.s32 @!p0 s1  }
0x42: {  	[bflag:$0x3] =	sbarrier.arrive $0xFFFF  }
0x43: {  	_ =	shalt  }

</sc_bundles>
